<compile_context>
chip_gen: v7x
topology: tpu7x:2x2x1
jax: 0.10.2.dev20260603
libtpu: 0.0.44.dev20260713+nightly
codegen_flags: <defaults>
</compile_context>

<pallas_src>
import functools

import jax
import jax.numpy as jnp
from jax import lax
from jax.experimental import pallas as pl
from jax.experimental.pallas import tpu as pltpu
from jax.experimental.pallas import tpu_sc as plsc

B = 16384
V = 100000
D = 64
V0 = 0.5

_info = plsc.get_sparse_core_info()
_NC, _NS, _L = _info.num_cores, _info.num_subcores, _info.num_lanes
_NW = _NC * _NS
_BPW = B // _NW


def _gather_body(t1_hbm, i1_hbm, t2_hbm, i2_hbm, e1_hbm, e2_hbm,
                 idx1_v, idx2_v, rows1_v, rows2_v, sem1, sem2):
    wid = lax.axis_index("s") * _NC + lax.axis_index("c")
    base = wid * _BPW
    pltpu.sync_copy(i1_hbm.at[pl.ds(base, _BPW)], idx1_v)
    pltpu.sync_copy(i2_hbm.at[pl.ds(base, _BPW)], idx2_v)
    cp1 = pltpu.async_copy(t1_hbm.at[idx1_v], rows1_v, sem1)
    cp2 = pltpu.async_copy(t2_hbm.at[idx2_v], rows2_v, sem2)
    cp1.wait()
    pltpu.sync_copy(rows1_v, e1_hbm.at[pl.ds(base, _BPW)])
    cp2.wait()
    pltpu.sync_copy(rows2_v, e2_hbm.at[pl.ds(base, _BPW)])


@jax.jit
def _sc_gather(table1, item1, table2, item2):
    mesh = plsc.VectorSubcoreMesh(core_axis_name="c", subcore_axis_name="s")
    f = functools.partial(
        pl.kernel,
        mesh=mesh,
        compiler_params=pltpu.CompilerParams(use_tc_tiling_on_sc=False),
        out_type=[
            jax.ShapeDtypeStruct((B, D), jnp.float32),
            jax.ShapeDtypeStruct((B, D), jnp.float32),
        ],
        scratch_types=[
            pltpu.VMEM((_BPW,), jnp.int32),
            pltpu.VMEM((_BPW,), jnp.int32),
            pltpu.VMEM((_BPW, D), jnp.float32),
            pltpu.VMEM((_BPW, D), jnp.float32),
            pltpu.SemaphoreType.DMA,
            pltpu.SemaphoreType.DMA,
        ],
    )(_gather_body)
    return f(table1, item1, table2, item2)


_BLK = 2048


def _dense_body(e1_ref, e2_ref, v1_ref, v2_ref, w_ref, o_ref):
    w1 = w_ref[0:D, :]
    w2 = w_ref[D:2 * D, :]
    e1 = e1_ref[...]
    e2 = e2_ref[...]
    a = e1 - e2
    b = e1 * (v1_ref[...] - V0) - e2 * (v2_ref[...] - V0)
    o_ref[...] = (jnp.dot(a, w1, preferred_element_type=jnp.float32)
                  + jnp.dot(b, w2, preferred_element_type=jnp.float32))


@jax.jit
def _dense(e1, e2, value1, value2, W):
    grid = (B // _BLK,)
    return pl.pallas_call(
        _dense_body,
        grid=grid,
        in_specs=[
            pl.BlockSpec((_BLK, D), lambda i: (i, 0)),
            pl.BlockSpec((_BLK, D), lambda i: (i, 0)),
            pl.BlockSpec((_BLK, 1), lambda i: (i, 0)),
            pl.BlockSpec((_BLK, 1), lambda i: (i, 0)),
            pl.BlockSpec((2 * D, 1), lambda i: (0, 0)),
        ],
        out_specs=pl.BlockSpec((_BLK, 1), lambda i: (i, 0)),
        out_shape=jax.ShapeDtypeStruct((B, 1), jnp.float32),
    )(e1, e2, value1, value2, W)


def kernel(item1, value1, item2, value2, table1, table2, W):
    i1 = item1.astype(jnp.int32)
    i2 = item2.astype(jnp.int32)
    e1, e2 = _sc_gather(table1, i1, table2, i2)
    return _dense(e1, e2, value1, value2, W)

# --- scband reference (transcript-rebuilt; emitter-appended) ---
"""Pipeline reference for scband-pair-model-39728447488500 (READ-ONLY COPY).

The authoritative reference and input builder live on the scoring server;
editing this copy changes nothing except your own understanding.
"""

import jax, jax.numpy as jnp
import numpy as np

B = 16384
V = 100000
D = 64
V0 = 0.5

def setup_inputs(seed: int = 0) -> dict:
    key = jax.random.key(seed)
    k1, k2, k3, k4, k5, k6, k7 = jax.random.split(key, 7)
    return {
        "item1": jax.random.randint(k1, (B,), 0, V),
        "value1": jax.random.uniform(k2, (B, 1), dtype=jnp.float32),
        "item2": jax.random.randint(k3, (B,), 0, V),
        "value2": jax.random.uniform(k4, (B, 1), dtype=jnp.float32),
        "table1": jax.random.normal(k5, (V, D), dtype=jnp.float32) * 0.05,
        "table2": jax.random.normal(k6, (V, D), dtype=jnp.float32) * 0.05,
        "W": jax.random.normal(k7, (2 * D, 1), dtype=jnp.float32) * 0.05,
    }

def reference(item1, value1, item2, value2, table1, table2, W):
    # DenseFeatures(columns['item1']) -> embedding lookup
    hot1_item = jnp.take(table1, item1, axis=0)  # [B, D]
    hot1 = jnp.concatenate([hot1_item, hot1_item * (value1 - V0)], axis=1)  # [B, 2D]
    hot2_item = jnp.take(table2, item2, axis=0)  # [B, D]
    hot2 = jnp.concatenate([hot2_item, hot2_item * (value2 - V0)], axis=1)  # [B, 2D]
    sub = hot1 - hot2  # Subtract layer
    out = sub @ W  # Dense(1, use_bias=False)
    return out

if __name__ == "__main__":
    import jax
    _d = setup_inputs()
    print(jax.jit(kernel)(*tuple(_d.values())))

</pallas_src>

<mosaic_0001>
#map = affine_map<(d0, d1) -> (0, 0)>
#map1 = affine_map<(d0, d1) -> (0)>
module attributes {stable_mosaic.version = 14 : i64} {
  func.func @_gather_body(%arg0: i32, %arg1: i32, %arg2: memref<100000x64xf32, #tpu.memory_space<hbm>>, %arg3: memref<16384xi32, #tpu.memory_space<hbm>>, %arg4: memref<100000x64xf32, #tpu.memory_space<hbm>>, %arg5: memref<16384xi32, #tpu.memory_space<hbm>>, %arg6: memref<16384x64xf32, #tpu.memory_space<hbm>>, %arg7: memref<16384x64xf32, #tpu.memory_space<hbm>>, %arg8: memref<512xi32, #tpu.memory_space<vmem>>, %arg9: memref<512xi32, #tpu.memory_space<vmem>>, %arg10: memref<512x64xf32, #tpu.memory_space<vmem>>, %arg11: memref<512x64xf32, #tpu.memory_space<vmem>>, %arg12: memref<!tpu.dma_semaphore, #tpu.memory_space<semaphore_mem>>, %arg13: memref<!tpu.dma_semaphore, #tpu.memory_space<semaphore_mem>>) attributes {dimension_semantics = [#tpu.dimension_semantics<core_parallel>, #tpu.dimension_semantics<subcore_parallel>], iteration_bounds = array<i64: 2, 16>, scalar_prefetch = 0 : i64, scratch_operands = 6 : i64, tpu.core_type = #tpu.core_type<sc_vector_subcore>, window_params = [{transform_indices = #map}, {transform_indices = #map1}, {transform_indices = #map}, {transform_indices = #map1}, {transform_indices = #map}, {transform_indices = #map}]} {
    %mul3A = arith.constant 2 : i32
    %mul3A_0 = arith.muli %arg1, %mul3A : i32
    %add3A = arith.addi %mul3A_0, %arg0 : i32
    %mul3A_1 = arith.constant 512 : i32
    %mul3A_2 = arith.muli %add3A, %mul3A_1 : i32
    "tpu.region"() ({
      %run_scoped3A = tpu.sem_alloc : memref<!tpu.dma_semaphore, #tpu.memory_space<semaphore_mem>>
      %dma_start3A_13 = tpu.memref_slice %arg3[%mul3A_2] : memref<16384xi32, #tpu.memory_space<hbm>> -> memref<512xi32, #tpu.memory_space<hbm>>
      %dma_start3A_14 = tpu.memref_slice %arg3[%mul3A_2] : memref<16384xi32, #tpu.memory_space<hbm>> -> memref<512xi32, #tpu.memory_space<hbm>>
      tpu.enqueue_dma source(%dma_start3A_14 : memref<512xi32, #tpu.memory_space<hbm>>) target(%arg8 : memref<512xi32, #tpu.memory_space<vmem>>) target_semaphore(%run_scoped3A : memref<!tpu.dma_semaphore, #tpu.memory_space<semaphore_mem>>)
      %dma_wait3A_15 = tpu.memref_slice %arg3[%mul3A_2] : memref<16384xi32, #tpu.memory_space<hbm>> -> memref<512xi32, #tpu.memory_space<hbm>>
      %dma_wait3A_16 = tpu.memref_slice %arg3[%mul3A_2] : memref<16384xi32, #tpu.memory_space<hbm>> -> memref<512xi32, #tpu.memory_space<hbm>>
      tpu.wait_dma2 semaphore(%run_scoped3A : memref<!tpu.dma_semaphore, #tpu.memory_space<semaphore_mem>>) src(%dma_wait3A_16 : memref<512xi32, #tpu.memory_space<hbm>>) dst(%arg8 : memref<512xi32, #tpu.memory_space<vmem>>)
      tpu.yield
    }) : () -> ()
    "tpu.region"() ({
      %run_scoped3A = tpu.sem_alloc : memref<!tpu.dma_semaphore, #tpu.memory_space<semaphore_mem>>
      %dma_start3A_13 = tpu.memref_slice %arg5[%mul3A_2] : memref<16384xi32, #tpu.memory_space<hbm>> -> memref<512xi32, #tpu.memory_space<hbm>>
      %dma_start3A_14 = tpu.memref_slice %arg5[%mul3A_2] : memref<16384xi32, #tpu.memory_space<hbm>> -> memref<512xi32, #tpu.memory_space<hbm>>
      tpu.enqueue_dma source(%dma_start3A_14 : memref<512xi32, #tpu.memory_space<hbm>>) target(%arg9 : memref<512xi32, #tpu.memory_space<vmem>>) target_semaphore(%run_scoped3A : memref<!tpu.dma_semaphore, #tpu.memory_space<semaphore_mem>>)
      %dma_wait3A_15 = tpu.memref_slice %arg5[%mul3A_2] : memref<16384xi32, #tpu.memory_space<hbm>> -> memref<512xi32, #tpu.memory_space<hbm>>
      %dma_wait3A_16 = tpu.memref_slice %arg5[%mul3A_2] : memref<16384xi32, #tpu.memory_space<hbm>> -> memref<512xi32, #tpu.memory_space<hbm>>
      tpu.wait_dma2 semaphore(%run_scoped3A : memref<!tpu.dma_semaphore, #tpu.memory_space<semaphore_mem>>) src(%dma_wait3A_16 : memref<512xi32, #tpu.memory_space<hbm>>) dst(%arg9 : memref<512xi32, #tpu.memory_space<vmem>>)
      tpu.yield
    }) : () -> ()
    %dma_start3A = arith.constant 0 : i32
    %dma_start3A_3 = arith.constant 0 : i32
    %dma_start3A_4 = tpu.memref_slice %arg2[%dma_start3A, %dma_start3A_3] : memref<100000x64xf32, #tpu.memory_space<hbm>> -> memref<100000x64xf32, #tpu.memory_space<hbm>>
    tpu.enqueue_indirect_dma source(%dma_start3A_4 : memref<100000x64xf32, #tpu.memory_space<hbm>>) target(%arg10 : memref<512x64xf32, #tpu.memory_space<vmem>>) offsets(%arg8 : memref<512xi32, #tpu.memory_space<vmem>>) semaphore(%arg12 : memref<!tpu.dma_semaphore, #tpu.memory_space<semaphore_mem>>)
    %dma_start3A_5 = arith.constant 0 : i32
    %dma_start3A_6 = arith.constant 0 : i32
    %dma_start3A_7 = tpu.memref_slice %arg4[%dma_start3A_5, %dma_start3A_6] : memref<100000x64xf32, #tpu.memory_space<hbm>> -> memref<100000x64xf32, #tpu.memory_space<hbm>>
    tpu.enqueue_indirect_dma source(%dma_start3A_7 : memref<100000x64xf32, #tpu.memory_space<hbm>>) target(%arg11 : memref<512x64xf32, #tpu.memory_space<vmem>>) offsets(%arg9 : memref<512xi32, #tpu.memory_space<vmem>>) semaphore(%arg13 : memref<!tpu.dma_semaphore, #tpu.memory_space<semaphore_mem>>)
    %dma_wait3A = arith.constant 0 : i32
    %dma_wait3A_8 = arith.constant 0 : i32
    %dma_wait3A_9 = tpu.memref_slice %arg2[%dma_wait3A, %dma_wait3A_8] : memref<100000x64xf32, #tpu.memory_space<hbm>> -> memref<100000x64xf32, #tpu.memory_space<hbm>>
    tpu.wait_indirect_dma semaphore(%arg12 : memref<!tpu.dma_semaphore, #tpu.memory_space<semaphore_mem>>) src(%dma_wait3A_9 : memref<100000x64xf32, #tpu.memory_space<hbm>>) dst(%arg10 : memref<512x64xf32, #tpu.memory_space<vmem>>)
    "tpu.region"() ({
      %run_scoped3A = tpu.sem_alloc : memref<!tpu.dma_semaphore, #tpu.memory_space<semaphore_mem>>
      %dma_start3A_13 = arith.constant 0 : i32
      %dma_start3A_14 = tpu.memref_slice %arg6[%mul3A_2, %dma_start3A_13] : memref<16384x64xf32, #tpu.memory_space<hbm>> -> memref<512x64xf32, #tpu.memory_space<hbm>>
      %dma_start3A_15 = arith.constant 0 : i32
      %dma_start3A_16 = tpu.memref_slice %arg6[%mul3A_2, %dma_start3A_15] : memref<16384x64xf32, #tpu.memory_space<hbm>> -> memref<512x64xf32, #tpu.memory_space<hbm>>
      tpu.enqueue_dma source(%arg10 : memref<512x64xf32, #tpu.memory_space<vmem>>) target(%dma_start3A_16 : memref<512x64xf32, #tpu.memory_space<hbm>>) target_semaphore(%run_scoped3A : memref<!tpu.dma_semaphore, #tpu.memory_space<semaphore_mem>>)
      %dma_wait3A_17 = arith.constant 0 : i32
      %dma_wait3A_18 = tpu.memref_slice %arg6[%mul3A_2, %dma_wait3A_17] : memref<16384x64xf32, #tpu.memory_space<hbm>> -> memref<512x64xf32, #tpu.memory_space<hbm>>
      %dma_wait3A_19 = arith.constant 0 : i32
      %dma_wait3A_20 = tpu.memref_slice %arg6[%mul3A_2, %dma_wait3A_19] : memref<16384x64xf32, #tpu.memory_space<hbm>> -> memref<512x64xf32, #tpu.memory_space<hbm>>
      tpu.wait_dma2 semaphore(%run_scoped3A : memref<!tpu.dma_semaphore, #tpu.memory_space<semaphore_mem>>) src(%arg10 : memref<512x64xf32, #tpu.memory_space<vmem>>) dst(%dma_wait3A_20 : memref<512x64xf32, #tpu.memory_space<hbm>>)
      tpu.yield
    }) : () -> ()
    %dma_wait3A_10 = arith.constant 0 : i32
    %dma_wait3A_11 = arith.constant 0 : i32
    %dma_wait3A_12 = tpu.memref_slice %arg4[%dma_wait3A_10, %dma_wait3A_11] : memref<100000x64xf32, #tpu.memory_space<hbm>> -> memref<100000x64xf32, #tpu.memory_space<hbm>>
    tpu.wait_indirect_dma semaphore(%arg13 : memref<!tpu.dma_semaphore, #tpu.memory_space<semaphore_mem>>) src(%dma_wait3A_12 : memref<100000x64xf32, #tpu.memory_space<hbm>>) dst(%arg11 : memref<512x64xf32, #tpu.memory_space<vmem>>)
    "tpu.region"() ({
      %run_scoped3A = tpu.sem_alloc : memref<!tpu.dma_semaphore, #tpu.memory_space<semaphore_mem>>
      %dma_start3A_13 = arith.constant 0 : i32
      %dma_start3A_14 = tpu.memref_slice %arg7[%mul3A_2, %dma_start3A_13] : memref<16384x64xf32, #tpu.memory_space<hbm>> -> memref<512x64xf32, #tpu.memory_space<hbm>>
      %dma_start3A_15 = arith.constant 0 : i32
      %dma_start3A_16 = tpu.memref_slice %arg7[%mul3A_2, %dma_start3A_15] : memref<16384x64xf32, #tpu.memory_space<hbm>> -> memref<512x64xf32, #tpu.memory_space<hbm>>
      tpu.enqueue_dma source(%arg11 : memref<512x64xf32, #tpu.memory_space<vmem>>) target(%dma_start3A_16 : memref<512x64xf32, #tpu.memory_space<hbm>>) target_semaphore(%run_scoped3A : memref<!tpu.dma_semaphore, #tpu.memory_space<semaphore_mem>>)
      %dma_wait3A_17 = arith.constant 0 : i32
      %dma_wait3A_18 = tpu.memref_slice %arg7[%mul3A_2, %dma_wait3A_17] : memref<16384x64xf32, #tpu.memory_space<hbm>> -> memref<512x64xf32, #tpu.memory_space<hbm>>
      %dma_wait3A_19 = arith.constant 0 : i32
      %dma_wait3A_20 = tpu.memref_slice %arg7[%mul3A_2, %dma_wait3A_19] : memref<16384x64xf32, #tpu.memory_space<hbm>> -> memref<512x64xf32, #tpu.memory_space<hbm>>
      tpu.wait_dma2 semaphore(%run_scoped3A : memref<!tpu.dma_semaphore, #tpu.memory_space<semaphore_mem>>) src(%arg11 : memref<512x64xf32, #tpu.memory_space<vmem>>) dst(%dma_wait3A_20 : memref<512x64xf32, #tpu.memory_space<hbm>>)
      tpu.yield
    }) : () -> ()
    return
  }
}

</mosaic_0001>

<sc_bundles>
// kernel: _sc_gather.3.cloned.1.call-start
scs
__scs_entry_jumppad:
0x0: {  	(pc) =	sbr.rel $0x88, $3  }
0x1: {  	(tag) =	ssettag $0x0;
	lr =	simm.s32 $0x1  }
0x2: {  	[smem:$0x3F9D] =	sst lr;
	_ =	strace $0xD0000000  }
0x3: {  	_ = 	snop  }
0x4: {  	_ = 	snop  }
0x5: {  	_ = 	snop  }
0x6: {  	_ = 	snop  }
0x7: {  	_ = 	snop  }
__scs_overlays_trampoline_lowered:
0x8: {  	[smem:$0x3FAC] =	sst s0  }
0x9: {  	[smem:$0x3FAD] =	sst s1  }
0xa: {  	[smem:$0x3FAE] =	sst s2  }
0xb: {  	[smem:$0x3FAF] =	sst s3  }
0xc: {  	[smem:$0x3FB0] =	sst s4  }
0xd: {  	[smem:$0x3FB1] =	sst s5  }
0xe: {  	[smem:$0x3FB2] =	sst s6  }
0xf: {  	[smem:$0x3FB3] =	sst s7  }
0x10: {  	[smem:$0x3FB4] =	sst s8  }
0x11: {  	[smem:$0x3FB5] =	sst s9;
	s0 =	simm.s32 @!p0 $0x0  }
0x12: {  	s1 =	sld [smem:$0x3F9B];
	s0 =	simm.s32 @p0 $0x1  }
0x13: {  	[smem:$0x3FB6] =	sst s0;
	s0 =	simm.s32 @!p1 $0x0  }
0x14: {  	s2 =	sld [smem:$0x3F9A];
	s0 =	simm.s32 @p1 $0x1  }
0x15: {  	[smem:$0x3FB7] =	sst s0;
	s0 =	simm.s32 @!p2 $0x0  }
0x16: {  	s3 =	sld [smem:$0x3FDB];
	s0 =	simm.s32 @p2 $0x1  }
0x17: {  	s4 =	simm.s32 $0x1BF5;
	[smem:$0x3FB9] =	sst s0  }
0x18: {  	s0 =	sld [smem:$0x3F9C];
	_ =	swait.ge [sflag:s4], $0x0  }
0x19: {  	s7 =	sld [smem:$0x3F9D]  }
0x1a: {  	s8 =	sadd.s32 $0xFFFFE003, lr  }
0x1b: {  	s9 =	sadd.s32 $0xFFFFFEF7, lr;
	s5 =	simm.s32 $0xFFFFFFFF;
	p2 =	slt.u32 s8, $0xFFFFF086  }
0x1c: {  	p1 =	slt.u32 s9, $0xF7A;
	s5 =	simm.s32 @!p2 $0x0  }
0x1d: {  	s5 =	simm.s32 @p1 $0x1;
	p0 =	seq.s32 s7, s2  }
0x1e: {  	s7 =	smul.u32 @!p0 $0xF7A, s2;
	p2 =	seq.s32 @!p0 s5, $0x0  }
0x1f: {  	s9 =	smul.u32 $0xF7A, s1;
	s8 =	simm.s32 @!p0 $0x1BF5;
	p2 =	por !p2, p0  }
0x20: {  	[sflag:s8] =	ssyncset.s32 @!p0 $0xFFFFF086;
	s6 =	sadd.s32 @!p0 s3, s7;
	s7 =	simm.s32 @!p0 $0x108  }
0x21: {  	s3 =	sadd.s32 s3, s9;
	s6 =	sadd.s32 @!p0 $0x88, s6;
	s7 =	simm.s32 @p2 $0x1082  }
0x22: {  	[simem:s7], [sflag:s8] =	dma.local @!p0 [hbm:s6], $0xF7A  }
0x23: {  	s9 =	sor.u32 $0xD0000000, s2;
	s6 =	simm.s32 $0x108;
	_ =	swait.ge @!p0 [sflag:s8], $0x0  }
0x24: {  	s3 =	sadd.s32 $0x88, s3;
	s6 =	simm.s32 @!p1 $0x1082;
	[sflag:s4] =	ssyncset.s32 $0xFFFFF086  }
0x25: {  	[simem:s6], [sflag:s4] =	dma.local [hbm:s3], $0xF7A  }
0x26: {  	[smem:$0x3F9D] =	sst s1;
	(tag) =	ssettag s2;
	_ =	strace s9  }
0x27: {  	s1 =	sld [smem:$0x3FAD]  }
0x28: {  	s2 =	sld [smem:$0x3FAE]  }
0x29: {  	s4 =	sld [smem:$0x3FB0]  }
0x2a: {  	p0 =	seq.s32 s5, $0x0;
	s5 =	sld [smem:$0x3FB1]  }
0x2b: {  	s6 =	sld [smem:$0x3FB2]  }
0x2c: {  	s7 =	sld [smem:$0x3FB3]  }
0x2d: {  	s3 =	simm.s32 $0x108;
	s8 =	sld [smem:$0x3FB4]  }
0x2e: {  	s3 =	simm.s32 @!p0 $0x1082;
	s9 =	sld [smem:$0x3FB5]  }
0x2f: {  	lr =	sadd.s32 s0, s3;
	s0 =	sld [smem:$0x3FAC]  }
0x30: {  	s3 =	sld [smem:$0x3FAF]  }
0x31: {  	[smem:$0x3FB8] =	sst s10  }
0x32: {  	s10 =	sld [smem:$0x3FB6];
	_ =	sdelay $0x3  }
0x33: {  	p0 =	seq.s32 s10, $0x1;
	s10 =	sld [smem:$0x3FB8];
	_ =	sdelay $0x3  }
0x34: {  	[smem:$0x3FB8] =	sst s10  }
0x35: {  	s10 =	sld [smem:$0x3FB7];
	_ =	sdelay $0x3  }
0x36: {  	p1 =	seq.s32 s10, $0x1;
	s10 =	sld [smem:$0x3FB8];
	_ =	sdelay $0x3  }
0x37: {  	[smem:$0x3FB8] =	sst s10  }
0x38: {  	s10 =	sld [smem:$0x3FB9]  }
0x39: {  	_ = 	snop;
	(pc) =	sbr.ind lr, $3  }
0x3a: {  	_ = 	snop  }
0x3b: {  	_ = 	snop  }
0x3c: {  	p2 =	seq.s32 s10, $0x1;
	s10 =	sld [smem:$0x3FB8]  }
0x3d: {  	_ =	shalt  }
0x3e: {  	_ =	shalt  }
0x3f: {  	_ =	shalt  }
0x40: {  	_ =	shalt  }
0x41: {  	_ =	shalt  }
0x42: {  	_ =	shalt  }
0x43: {  	_ =	shalt  }
0x44: {  	_ =	shalt  }
0x45: {  	_ =	shalt  }
0x46: {  	_ =	shalt  }
0x47: {  	_ =	shalt  }
0x48: {  	_ =	shalt  }
0x49: {  	_ =	shalt  }
0x4a: {  	_ =	shalt  }
0x4b: {  	_ =	shalt  }
0x4c: {  	_ =	shalt  }
0x4d: {  	_ =	shalt  }
0x4e: {  	_ =	shalt  }
0x4f: {  	_ =	shalt  }
0x50: {  	_ =	shalt  }
0x51: {  	_ =	shalt  }
0x52: {  	_ =	shalt  }
0x53: {  	_ =	shalt  }
0x54: {  	_ =	shalt  }
0x55: {  	_ =	shalt  }
0x56: {  	_ =	shalt  }
0x57: {  	_ =	shalt  }
0x58: {  	_ =	shalt  }
0x59: {  	_ =	shalt  }
0x5a: {  	_ =	shalt  }
0x5b: {  	_ =	shalt  }
0x5c: {  	_ =	shalt  }
0x5d: {  	_ =	shalt  }
0x5e: {  	_ =	shalt  }
0x5f: {  	_ =	shalt  }
0x60: {  	_ =	shalt  }
0x61: {  	_ =	shalt  }
0x62: {  	_ =	shalt  }
0x63: {  	_ =	shalt  }
0x64: {  	_ =	shalt  }
0x65: {  	_ =	shalt  }
0x66: {  	_ =	shalt  }
0x67: {  	_ =	shalt  }
0x68: {  	_ =	shalt  }
0x69: {  	_ =	shalt  }
0x6a: {  	_ =	shalt  }
0x6b: {  	_ =	shalt  }
0x6c: {  	_ =	shalt  }
0x6d: {  	_ =	shalt  }
0x6e: {  	_ =	shalt  }
0x6f: {  	_ =	shalt  }
0x70: {  	_ =	shalt  }
0x71: {  	_ =	shalt  }
0x72: {  	_ =	shalt  }
0x73: {  	_ =	shalt  }
0x74: {  	_ =	shalt  }
0x75: {  	_ =	shalt  }
0x76: {  	_ =	shalt  }
0x77: {  	_ =	shalt  }
0x78: {  	_ =	shalt  }
0x79: {  	_ =	shalt  }
0x7a: {  	_ =	shalt  }
0x7b: {  	_ =	shalt  }
0x7c: {  	_ =	shalt  }
0x7d: {  	_ =	shalt  }
0x7e: {  	_ =	shalt  }
0x7f: {  	_ =	shalt  }
0x80: {  	_ =	shalt  }
0x81: {  	_ =	shalt  }
0x82: {  	_ =	shalt  }
0x83: {  	_ =	shalt  }
0x84: {  	_ =	shalt  }
0x85: {  	_ =	shalt  }
0x86: {  	_ =	shalt  }
0x87: {  	_ =	shalt  }
.Lfunc_end0:
.L_simem_size_0:
called_computation_lowered:
.L_overlay_start_0:
0x88: {  	s2 =	sld [smem:$0x3FD9]  }
0x89: {  	s3 =	sld [smem:$0x3FFE];
	_ =	sdelay $0x1  }
0x8a: {  	s1 =	srdreg.scid  }
0x8b: {  	s0 =	sand.u32 $0x1, s1  }
0x8c: {  	s14 =	sshll.u32 s0, $0xA;
	s2 =	sadd.s32 s3, s2  }
0x8d: {  	s2 =	sadd.s32 s2, s14  }
0x8e: {  	[smem:$0x3FC4] =	sst s2  }
0x8f: {  	_ = 	snop  }
0x90: {  	s2 =	sld [smem:$0x3FD0];
	_ =	sdelay $0x1  }
0x91: {  	s15 =	sld [smem:$0x3FC8]  }
0x92: {  	s5 =	simm.s32 $0xA;
	s6 =	simm.s32 $0x10;
	s4 =	sld [smem:$0x3FC6]  }
0x93: {  	[smem:s6], [sflag:s5] =	dma.local [hbm:s2], $0x1  }
0x94: {  	_ =	swait.eq [sflag:s5], $0x1  }
0x95: {  	[sflag:s5] =	ssyncset.done $0x0  }
0x96: {  	s16 =	sld [smem:$0x10];
	[sflag:s5] =	ssyncadd.s32 $0xFFFFFFFF  }
0x97: {  	s17 =	sld [smem:$0x11];
	(tm) =	ssettm $0x1  }
0x98: {  	s18 =	sld [smem:$0x3FFB];
	_ =	sdelay $0x3  }
0x99: {  	_ =	strace s18  }
0x9a: {  	s6 =	sld [smem:$0x3FFC];
	_ =	sdelay $0x3  }
0x9b: {  	_ =	strace s6  }
0x9c: {  	s6 =	sld [smem:$0x3FFD];
	_ =	sdelay $0x3  }
0x9d: {  	_ =	strace s6  }
0x9e: {  	_ =	strace $0x8FFFFFFF  }
0x9f: {  	s19 =	sld [smem:$0x3FDB];
	_ =	sdelay $0x1  }
0xa0: {  	s7 =	simm.s32 $_scs_section_size  }
0xa1: {  	s8 =	simm.s32 $_size__tile_overlayer_lowered;
	s9 =	simm.s32 $_tile_overlayer_lowered  }
0xa2: {  	s22 =	simm.s32 $0x1BFF;
	s21 =	sshll.u32 s9, $0x1;
	s6 =	sadd.s32 s7, s19  }
0xa3: {  	s10 =	simm.s32 $0x0;
	s20 =	sshll.u32 s8, $0x1;
	s8 =	sadd.s32 s21, s6  }
0xa4: {  	[timem:s10], [sflag:s22] =	dma.local [hbm:s8], s20  }
0xa5: {  	_ =	swait.ge [sflag:s22], s20  }
0xa6: {  	s7 =	ssub.s32 $0x0, s20;
	[sflag:s22] =	ssyncset.done $0x0  }
0xa7: {  	[sflag:s22] =	ssyncadd.s32 s7;
	_ =	sdelay $0x1  }
0xa8: {  	s23 =	simm.s32 $0x1B8B  }
0xa9: {  	_ =	swait.ge [sflag:s23], $0x1  }
0xaa: {  	[sflag:s23] =	ssyncset.done $0x0  }
0xab: {  	s25 =	simm.s32 $0x1B8E;
	s24 =	sld [smem:$0x3FFE];
	[sflag:s23] =	ssyncadd.s32 $0xFFFFFFFF  }
0xac: {  	s26 =	simm.s32 $execute0_lowered;
	[smem:$0x3FD2] =	sst s25  }
0xad: {  	s8 =	sshll.u32 s26, $0x1;
	_ =	strace $0x80000046;
	[dreg:$0x1] =	wrdreg $0xFFFFFFFF  }
0xae: {  	s28 =	simm.s32 $_size_execute0_lowered;
	s6 =	sadd.s32 s6, s8;
	[dreg:$0x0] =	wrdreg $0x0  }
0xaf: {  	s8 =	sshll.u32 s28, $0x1;
	[dreg:$0x2] =	wrdreg s6  }
0xb0: {  	[dreg:$0x3] =	wrdreg s8  }
0xb1: {  	[dreg:$0x4] =	wrdreg $0xC0  }
0xb2: {  	_ =	task [dreg:s10], $0x5FFFF  }
0xb3: {  	[dreg:$0x1] =	wrdreg $0xFFFFFFFF  }
0xb4: {  	[dreg:$0x0] =	wrdreg $0x60  }
0xb5: {  	[dreg:$0x2] =	wrdreg s24  }
0xb6: {  	[dreg:$0x3] =	wrdreg s15  }
0xb7: {  	[dreg:$0x4] =	wrdreg s4  }
0xb8: {  	[dreg:$0x5] =	wrdreg s16  }
0xb9: {  	[dreg:$0x6] =	wrdreg s17  }
0xba: {  	[dreg:$0x7] =	wrdreg $0x9  }
0xbb: {  	_ =	task.clear_ibuf [dreg:s10], $0x8FFFF;
	_ =	strace $0x90000046  }
0xbc: {  	s29 =	simm.s32 $0x9;
	_ =	strace $0x80000048  }
0xbd: {  	_ =	swait.ge [sflag:s29], $0x1  }
0xbe: {  	[sflag:s29] =	ssyncadd.s32 $0xFFFFFFFF  }
0xbf: {  	_ =	strace $0x90000048  }
0xc0: {  	_ =	sfence  }
0xc1: {  	s30 =	sld [smem:$0x0];
	_ =	sdelay $0x2  }
0xc2: {  	s31 =	sshll.u32 s1, $0xD;
	s1 =	sshrl.u32 s1, $0x2  }
0xc3: {  	s3 =	sand.u32 $0x4000, s31;
	s1 =	sadd.s32 s1, s30  }
0xc4: {  	s0 =	sor.u32 s3, s0;
	s1 =	sshll.u32 s1, $0x11  }
0xc5: {  	s0 =	sor.u32 s1, s0  }
0xc6: {  	s0 =	sadd.s32 $0x8F2B, s0  }
0xc7: {  	[sflag:s0] =	ssyncadd.remote.s32 $0x1  }
0xc8: {  	_ =	sfence.sel $0xFFFF  }
0xc9: {  	[dreg:$0x0] =	wrdreg $0xFFFFFFFF;
	(pc) =	sbr.abs _section_cstart, $3  }
0xca: {  	[dreg:$0x1] =	wrdreg $0xFFFFFFFF  }
0xcb: {  	_ =	task.clear_ibuf [dreg:s10], $0x2FFFF;
	_ =	strace $0x9FFFFFFF  }
0xcc: {  	(tm) =	ssettm $0x7FFFFFFF  }
0xcd: {  	_ =	shalt  }
tec
execute0_lowered:
.L_overlay_start_1:
0x0: {  	(tag) =	ssettag $0x1  }
0x1: {  	s9 =	rddreg [dreg:$0x0]  }
0x2: {  	s3 =	rddreg [dreg:$0x1]  }
0x3: {  	s5 =	rddreg [dreg:$0x2];
	s1 =	srdreg.scid  }
0x4: {  	s12 =	rddreg [dreg:$0x3];
	s0 =	stileid.u32;
	s13 =	sand.u32 $0x1, s1  }
0x5: {  	s14 =	rddreg [dreg:$0x4];
	s4 =	sshll.u32 s0, $0xA;
	s6 =	sshll.u32 s13, $0x9  }
0x6: {  	s2 =	simm.s32 $0x0;
	s1 =	rddreg [dreg:$0x5];
	s15 =	sor.u32 s6, s4  }
0x7: {  	[smem:$0x7FF] =	sst s2;
	s6 =	sshrl.u32 s15, $0x3  }
0x8: {  	_ =	strace $0x80000047;
	s4 =	sadd.s32 s3, s6;
	s3 =	simm.s32 $0x3  }
0x9: {  	[tilespmem:s2], [sflag:$0x3] =	stream.linear.gather [hbm4b:s4+s2], $0x200, $0x38;
	[tilespmem:$0x10400] =	vst v63  }
0xa: {  	_ =	swait.ge [sflag:s3], $0x200  }
0xb: {  	[sflag:s3] =	ssyncset.done $0x0  }
0xc: {  	s5 =	sadd.s32 s5, s6;
	s6 =	simm.s32 $0x200;
	[sflag:s3] =	ssyncadd.s32 $0xFFFFFE00  }
0xd: {  	[tilespmem:s6], [sflag:$0x3] =	stream.linear.gather [hbm4b:s5+s2], $0x200, $0x38;
	[tilespmem:$0x10400] =	vst v63  }
0xe: {  	_ =	swait.ge [sflag:s3], $0x200  }
0xf: {  	[sflag:s3] =	ssyncset.done $0x0  }
0x10: {  	s8 =	simm.s32 $0x400;
	s7 =	sadd.s32 $0x189000, s9;
	[sflag:s3] =	ssyncadd.s32 $0xFFFFFE00  }
0x11: {  	[tilespmem:s8], [sflag:$0x1] =	stream.indirect.gather [hbm4b:s7+s6], $0x40, s2, s6, $0xb8;
	[tilespmem:$0x10400] =	vst v63  }
0x12: {  	s10 =	simm.s32 $0x8400;
	s11 =	simm.s32 $0x1;
	s9 =	sadd.s32 $0x24C600, s9  }
0x13: {  	[tilespmem:s10], [sflag:$0x2] =	stream.indirect.gather [hbm4b:s9+s6], $0x40, s6, s6, $0xb8;
	[tilespmem:$0x10400] =	vst v63  }
0x14: {  	_ =	swait.ge [sflag:s11], $0x8000  }
0x15: {  	s15 =	sshll.u32 s15, $0x3;
	[sflag:s11] =	ssyncset.done $0x0  }
0x16: {  	s16 =	ssub.s32 $0x2, s13;
	s12 =	sadd.s32 s12, s15;
	[sflag:s11] =	ssyncadd.s32 $0xFFFF8000  }
0x17: {  	[hbm4b:s12+s2] =	stream.linear.scatter [tilespmem:s8], [sflag:$0x3], $0x8000, $0x38;
	[tilespmem:$0x10400] =	vst v63  }
0x18: {  	s17 =	sshrl.u32 s16, $0x1;
	_ =	swait.ge [sflag:s3], $0x8000  }
0x19: {  	s16 =	ssub.s32 s16, s17;
	[sflag:s3] =	ssyncset.done $0x0  }
0x1a: {  	s13 =	simm.s32 $0x2;
	s31 =	smax.u32 s16, $0x1;
	[sflag:s3] =	ssyncadd.s32 $0xFFFF8000  }
0x1b: {  	p0 =	sne.s32 s31, $0x1;
	_ =	swait.ge [sflag:s13], $0x8000  }
.Ltmp0:
0x1c: {  	[sflag:s13] =	ssyncset.done $0x0;
	(pc) =	sbr.rel @!p0 .LBB2_2-.Ltmp0, $4  }
0x1d: {  	s14 =	sadd.s32 s14, s15;
	[sflag:s13] =	ssyncadd.s32 $0xFFFF8000  }
0x1e: {  	[hbm4b:s14+s2] =	stream.linear.scatter [tilespmem:s10], [sflag:$0x3], $0x8000, $0x38;
	[tilespmem:$0x10400] =	vst v63  }
0x1f: {  	_ =	swait.ge [sflag:s3], $0x8000  }
0x20: {  	s15 =	sadd.s32 $0xFFFFFFFF, s31;
	[sflag:s3] =	ssyncset.done $0x0  }
.LBB2_1:
0x21: {  	p0 =	sne.s32 s15, $0x1;
	s15 =	sadd.s32 $0xFFFFFFFF, s15;
	[sflag:s3] =	ssyncadd.s32 $0xFFFF8000  }
0x22: {  	[tilespmem:s2], [sflag:$0x3] =	stream.linear.gather [hbm4b:s4+s2], $0x200, $0x38;
	[tilespmem:$0x10400] =	vst v63  }
0x23: {  	_ =	swait.ge [sflag:s3], $0x200  }
0x24: {  	[sflag:s3] =	ssyncset.done $0x0  }
0x25: {  	[sflag:s3] =	ssyncadd.s32 $0xFFFFFE00  }
0x26: {  	[tilespmem:s6], [sflag:$0x3] =	stream.linear.gather [hbm4b:s5+s2], $0x200, $0x38;
	[tilespmem:$0x10400] =	vst v63  }
0x27: {  	_ =	swait.ge [sflag:s3], $0x200  }
0x28: {  	[sflag:s3] =	ssyncset.done $0x0  }
0x29: {  	[sflag:s3] =	ssyncadd.s32 $0xFFFFFE00  }
0x2a: {  	[tilespmem:s8], [sflag:$0x1] =	stream.indirect.gather [hbm4b:s7+s6], $0x40, s2, s6, $0xb8;
	[tilespmem:$0x10400] =	vst v63  }
0x2b: {  	_ = 	snop  }
0x2c: {  	[tilespmem:s10], [sflag:$0x2] =	stream.indirect.gather [hbm4b:s9+s6], $0x40, s6, s6, $0xb8;
	[tilespmem:$0x10400] =	vst v63  }
0x2d: {  	_ =	swait.ge [sflag:s11], $0x8000  }
0x2e: {  	[sflag:s11] =	ssyncset.done $0x0  }
0x2f: {  	[sflag:s11] =	ssyncadd.s32 $0xFFFF8000  }
0x30: {  	[hbm4b:s12+s2] =	stream.linear.scatter [tilespmem:s8], [sflag:$0x3], $0x8000, $0x38;
	[tilespmem:$0x10400] =	vst v63  }
0x31: {  	_ =	swait.ge [sflag:s3], $0x8000  }
0x32: {  	[sflag:s3] =	ssyncset.done $0x0  }
0x33: {  	[sflag:s3] =	ssyncadd.s32 $0xFFFF8000  }
0x34: {  	_ =	swait.ge [sflag:s13], $0x8000  }
.Ltmp1:
0x35: {  	[sflag:s13] =	ssyncset.done $0x0;
	(pc) =	sbr.rel @p0 .LBB2_1-.Ltmp1, $4  }
0x36: {  	[sflag:s13] =	ssyncadd.s32 $0xFFFF8000  }
0x37: {  	[hbm4b:s14+s2] =	stream.linear.scatter [tilespmem:s10], [sflag:$0x3], $0x8000, $0x38;
	[tilespmem:$0x10400] =	vst v63  }
0x38: {  	_ =	swait.ge [sflag:s3], $0x8000  }
0x39: {  	[sflag:s3] =	ssyncset.done $0x0  }
.LBB2_2:
0x3a: {  	[sflag:s3] =	ssyncadd.s32 $0xFFFF8000  }
0x3b: {  	_ =	sfence.sel $0x180000  }
0x3c: {  	[bflag:$0x0] =	sbarrier.arrive $0xFFFF  }
0x3d: {  	p0 =	sne.s32 s0, $0x0;
	_ =	strace $0x90000047  }
0x3e: {  	s0 =	sadd.s32 @!p0 $0x100000, s1;
	[bflag:$0x2] =	sbarrier.arrive $0xFFFF  }
0x3f: {  	[sflag:s0] =	ssyncadd.tile.s32 @!p0 $0x1;
	_ =	shalt  }
.Lfunc_end2:
_tile_overlayer_lowered:
.L_overlay_start_2:
0x40: {  	(tag) =	ssettag $0x2  }
0x41: {  	s0 =	rddreg [dreg:$0x0];
	s2 =	stileid.u32  }
0x42: {  	s1 =	rddreg [dreg:$0x1];
	p0 =	sne.s32 s2, $0x0  }
0x43: {  	s3 =	rddreg [dreg:$0x2];
	[bflag:$0x3] =	sbarrier.arrive $0xFFFF;
	s2 =	simm.s32 @!p0 $0x1C03  }
0x44: {  	[timem:s3], [sflag:s2] =	dma.local @!p0 [hbm:s0], s1  }
0x45: {  	s0 =	simm.s32 @!p0 $0x3  }
0x46: {  	_ =	swait.ge @!p0 [sflag:s0], s1  }
0x47: {  	s1 =	ssub.s32 @!p0 $0x0, s1;
	[sflag:s0] =	ssyncset.done @!p0 $0x0  }
0x48: {  	[sflag:s0] =	ssyncadd.s32 @!p0 s1  }
0x49: {  	[bflag:$0x3] =	sbarrier.arrive $0xFFFF  }
0x4a: {  	_ =	shalt  }

</sc_bundles>
